<compile_context>
chip_gen: v7x
topology: tpu7x:2x2x1
jax: 0.10.2.dev20260603
libtpu: 0.0.44.dev20260713+nightly
codegen_flags: <defaults>
</compile_context>

<pallas_src>
import functools

import jax
import jax.numpy as jnp
from jax import lax
from jax.experimental import pallas as pl
from jax.experimental.pallas import tpu as pltpu
from jax.experimental.pallas import tpu_sc as plsc

_NC = 2
_NS = 16
_L = 16
_NW = _NC * _NS
_ROWS = 1048576

_SC_ROWS = 262144
_CHUNK = _SC_ROWS // _NS
_NBLK = 1
_BLK = _CHUNK // _NBLK
_UNROLL = 8

_BTQ = 65536
_BT = 4 * _BTQ
_TC_OFF = _SC_ROWS // _BT
_TC_NB = (_ROWS - _SC_ROWS) // _BT


@functools.cache
def _sc_lane_sums():
    @functools.partial(
        pl.kernel,
        out_type=jax.ShapeDtypeStruct((_NS, 4 * _L), jnp.int32),
        mesh=plsc.VectorSubcoreMesh(core_axis_name="c", subcore_axis_name="s",
                                    num_cores=1),
        scratch_types=[
            pltpu.VMEM((_BLK,), jnp.int32),
            pltpu.VMEM((_BLK,), jnp.int32),
            pltpu.VMEM((4 * _L,), jnp.int32),
            pltpu.SemaphoreType.DMA,
            pltpu.SemaphoreType.DMA,
        ],
    )
    def sc_lane_sums(qi_hbm, out_hbm, buf0, buf1, out_v, sem0, sem1):
        sid = lax.axis_index("s")
        base = sid * _CHUNK
        bufs = (buf0, buf1)
        sems = (sem0, sem1)
        seq = [(c, k) for c in range(2) for k in range(_NBLK)]

        handles = [
            pltpu.async_copy(
                qi_hbm.at[seq[j][0], pl.ds(base + seq[j][1] * _BLK, _BLK)],
                bufs[j], sems[j])
            for j in range(2)
        ]

        zero = jnp.zeros((_L,), jnp.int32)
        accs = {0: (zero, zero), 1: (zero, zero)}
        for j, (c, _k) in enumerate(seq):
            buf = bufs[j % 2]
            handles[j % 2].wait()

            def body(i, carry, buf=buf):
                a_s, a_q = carry
                off = i * (_L * _UNROLL)
                for u in range(_UNROLL):
                    v = buf[pl.ds(off + u * _L, _L)]
                    a_s = a_s + v
                    a_q = a_q + v * v
                return a_s, a_q

            accs[c] = lax.fori_loop(0, _BLK // (_L * _UNROLL), body, accs[c])
            if j + 2 < len(seq):
                nc, nk = seq[j + 2]
                handles[j % 2] = pltpu.async_copy(
                    qi_hbm.at[nc, pl.ds(base + nk * _BLK, _BLK)],
                    buf, sems[j % 2])

        out_v[pl.ds(0, _L)] = accs[0][0]
        out_v[pl.ds(_L, _L)] = accs[0][1]
        out_v[pl.ds(2 * _L, _L)] = accs[1][0]
        out_v[pl.ds(3 * _L, _L)] = accs[1][1]
        pltpu.sync_copy(out_v, out_hbm.at[sid])

    return sc_lane_sums


def _tc_counts_body(q_ref, o_ref, acc_ref):
    i = pl.program_id(0)
    x = q_ref[...]
    t = None
    for qtr in range(4):
        xq = x[:, qtr * _BTQ:(qtr + 1) * _BTQ]
        tq = xq + jnp.left_shift(xq * xq, 16)
        t = tq if t is None else t + tq

    @pl.when(i == 0)
    def _():
        acc_ref[...] = t

    @pl.when(i > 0)
    def _():
        acc_ref[...] = acc_ref[...] + t

    @pl.when(i == _TC_NB - 1)
    def _():
        acc = acc_ref[...]
        s = jnp.bitwise_and(acc, 0xFFFF)
        q = jnp.right_shift(acc, 16)
        row = lax.broadcasted_iota(jnp.int32, acc.shape, 0)
        o_ref[0] = jnp.sum(jnp.where(row == 0, s, 0))
        o_ref[1] = jnp.sum(jnp.where(row == 1, s, 0))
        o_ref[2] = jnp.sum(jnp.where(row == 0, q, 0))
        o_ref[3] = jnp.sum(jnp.where(row == 1, q, 0))


def _tc_finish_body(w_ref, p_ref, t_ref, o_ref):
    w = w_ref[...]
    m = jnp.max(w, axis=-1, keepdims=True)
    lse = jnp.log(jnp.sum(jnp.exp(w - m), axis=-1, keepdims=True)) + m
    mu = lse - w

    p = p_ref[...].astype(jnp.float32)
    lane = lax.broadcasted_iota(jnp.int32, p.shape, 1)
    seg = jnp.right_shift(lane, 4)
    s0 = jnp.sum(jnp.where(seg == 0, p, 0.0)) + t_ref[0].astype(jnp.float32)
    q0 = jnp.sum(jnp.where(seg == 1, p, 0.0)) + t_ref[2].astype(jnp.float32)
    s1 = jnp.sum(jnp.where(seg == 2, p, 0.0)) + t_ref[1].astype(jnp.float32)
    q1 = jnp.sum(jnp.where(seg == 3, p, 0.0)) + t_ref[3].astype(jnp.float32)

    row = lax.broadcasted_iota(jnp.int32, (2, 3), 0)
    col = lax.broadcasted_iota(jnp.int32, (2, 3), 1)
    s = jnp.where(row == 0, s0, s1)
    q = jnp.where(row == 0, q0, q1)
    n = jnp.float32(_ROWS)
    counts = jnp.where(
        col == 0,
        n - 1.5 * s + 0.5 * q,
        jnp.where(col == 1, 2.0 * s - q, 0.5 * (q - s)),
    )
    o_ref[...] = jnp.broadcast_to(jnp.sum(mu * counts), (1, 1))


def kernel(qi, W):
    qi_t = qi.T.astype(jnp.int32)
    partials = _sc_lane_sums()(qi_t)
    tc_sums = pl.pallas_call(
        _tc_counts_body,
        grid=(_TC_NB,),
        in_specs=[pl.BlockSpec((2, _BT), lambda i: (0, _TC_OFF + i))],
        out_specs=pl.BlockSpec(memory_space=pltpu.SMEM),
        out_shape=jax.ShapeDtypeStruct((4,), jnp.int32),
        scratch_shapes=[pltpu.VMEM((2, _BTQ), jnp.int32)],
    )(qi_t)
    out = pl.pallas_call(
        _tc_finish_body,
        in_specs=[
            pl.BlockSpec(memory_space=pltpu.VMEM),
            pl.BlockSpec(memory_space=pltpu.VMEM),
            pl.BlockSpec(memory_space=pltpu.SMEM),
        ],
        out_shape=jax.ShapeDtypeStruct((1, 1), jnp.float32),
    )(W, partials, tc_sums)
    return out[0, 0]

# --- scband reference (transcript-rebuilt; emitter-appended) ---
"""Pipeline reference for scband-projector-model-50603304682011 (READ-ONLY COPY).

The authoritative reference and input builder live on the scoring server;
editing this copy changes nothing except your own understanding.
"""

import jax, jax.numpy as jnp
import numpy as np


def setup_inputs(seed: int = 0) -> dict:
    key = jax.random.key(seed)
    k1, k2 = jax.random.split(key)
    qi = jax.random.randint(k1, (1048576, 2), 0, 3, dtype=jnp.int64 if jax.config.jax_enable_x64 else jnp.int32)
    # learned parameter: original inits to zeros(2,3); use small random values so the
    # log-softmax / gather path is numerically non-degenerate.
    W = jax.random.normal(k2, (2, 3), dtype=jnp.float32) * 0.1
    return {"qi": qi, "W": W}


def reference(qi, W):
    # mu = -log_softmax(weight, -1)
    mu = -jax.nn.log_softmax(W, axis=-1)
    idx = jnp.abs(qi)
    # sum over the two 'sites': gather per-row then reduce
    total = jnp.asarray(0.0, dtype=W.dtype)
    for i in range(2):
        total = total + jnp.take(mu[i], idx[:, i], axis=0).sum()
    return total

if __name__ == "__main__":
    import jax
    _d = setup_inputs()
    print(jax.jit(kernel)(*tuple(_d.values())))

</pallas_src>

<mosaic_0001>
#map = affine_map<(d0, d1) -> (0, 0)>
module attributes {stable_mosaic.version = 14 : i64} {
  func.func @sc_lane_sums(%arg0: i32, %arg1: i32, %arg2: memref<2x1048576xi32, #tpu.memory_space<hbm>>, %arg3: memref<16x64xi32, #tpu.memory_space<hbm>>, %arg4: memref<16384xi32, #tpu.memory_space<vmem>>, %arg5: memref<16384xi32, #tpu.memory_space<vmem>>, %arg6: memref<64xi32, #tpu.memory_space<vmem>>, %arg7: memref<!tpu.dma_semaphore, #tpu.memory_space<semaphore_mem>>, %arg8: memref<!tpu.dma_semaphore, #tpu.memory_space<semaphore_mem>>) attributes {dimension_semantics = [#tpu.dimension_semantics<core_parallel>, #tpu.dimension_semantics<subcore_parallel>], iteration_bounds = array<i64: 1, 16>, scalar_prefetch = 0 : i64, scratch_operands = 5 : i64, tpu.core_type = #tpu.core_type<sc_vector_subcore>, window_params = [{transform_indices = #map}, {transform_indices = #map}]} {
    %mul3A = arith.constant 16384 : i32
    %mul3A_0 = arith.muli %arg1, %mul3A : i32
    %add3A = arith.constant 0 : i32
    %add3A_1 = arith.addi %mul3A_0, %add3A : i32
    %dma_start3A = arith.constant 0 : i32
    %dma_start3A_2 = tpu.memref_slice %arg2[%dma_start3A, %add3A_1] : memref<2x1048576xi32, #tpu.memory_space<hbm>> -> memref<1x16384xi32, #tpu.memory_space<hbm>>
    %dma_start3A_3 = tpu.memref_squeeze %dma_start3A_2 : memref<1x16384xi32, #tpu.memory_space<hbm>> -> memref<16384xi32, #tpu.memory_space<hbm>>
    %dma_start3A_4 = tpu.memref_slice %arg2[%dma_start3A, %add3A_1] : memref<2x1048576xi32, #tpu.memory_space<hbm>> -> memref<1x16384xi32, #tpu.memory_space<hbm>>
    %dma_start3A_5 = tpu.memref_squeeze %dma_start3A_4 : memref<1x16384xi32, #tpu.memory_space<hbm>> -> memref<16384xi32, #tpu.memory_space<hbm>>
    tpu.enqueue_dma source(%dma_start3A_5 : memref<16384xi32, #tpu.memory_space<hbm>>) target(%arg4 : memref<16384xi32, #tpu.memory_space<vmem>>) target_semaphore(%arg7 : memref<!tpu.dma_semaphore, #tpu.memory_space<semaphore_mem>>)
    %add3A_6 = arith.constant 0 : i32
    %add3A_7 = arith.addi %mul3A_0, %add3A_6 : i32
    %dma_start3A_8 = arith.constant 1 : i32
    %dma_start3A_9 = tpu.memref_slice %arg2[%dma_start3A_8, %add3A_7] : memref<2x1048576xi32, #tpu.memory_space<hbm>> -> memref<1x16384xi32, #tpu.memory_space<hbm>>
    %dma_start3A_10 = tpu.memref_squeeze %dma_start3A_9 : memref<1x16384xi32, #tpu.memory_space<hbm>> -> memref<16384xi32, #tpu.memory_space<hbm>>
    %dma_start3A_11 = tpu.memref_slice %arg2[%dma_start3A_8, %add3A_7] : memref<2x1048576xi32, #tpu.memory_space<hbm>> -> memref<1x16384xi32, #tpu.memory_space<hbm>>
    %dma_start3A_12 = tpu.memref_squeeze %dma_start3A_11 : memref<1x16384xi32, #tpu.memory_space<hbm>> -> memref<16384xi32, #tpu.memory_space<hbm>>
    tpu.enqueue_dma source(%dma_start3A_12 : memref<16384xi32, #tpu.memory_space<hbm>>) target(%arg5 : memref<16384xi32, #tpu.memory_space<vmem>>) target_semaphore(%arg8 : memref<!tpu.dma_semaphore, #tpu.memory_space<semaphore_mem>>)
    %broadcast_in_dim3A = arith.constant 0 : i32
    %broadcast_in_dim3A_13 = vector.broadcast %broadcast_in_dim3A : i32 to vector<16xi32>
    %dma_wait3A = arith.constant 0 : i32
    %dma_wait3A_14 = tpu.memref_slice %arg2[%dma_wait3A, %add3A_1] : memref<2x1048576xi32, #tpu.memory_space<hbm>> -> memref<1x16384xi32, #tpu.memory_space<hbm>>
    %dma_wait3A_15 = tpu.memref_squeeze %dma_wait3A_14 : memref<1x16384xi32, #tpu.memory_space<hbm>> -> memref<16384xi32, #tpu.memory_space<hbm>>
    %dma_wait3A_16 = tpu.memref_slice %arg2[%dma_wait3A, %add3A_1] : memref<2x1048576xi32, #tpu.memory_space<hbm>> -> memref<1x16384xi32, #tpu.memory_space<hbm>>
    %dma_wait3A_17 = tpu.memref_squeeze %dma_wait3A_16 : memref<1x16384xi32, #tpu.memory_space<hbm>> -> memref<16384xi32, #tpu.memory_space<hbm>>
    tpu.wait_dma2 semaphore(%arg7 : memref<!tpu.dma_semaphore, #tpu.memory_space<semaphore_mem>>) src(%dma_wait3A_17 : memref<16384xi32, #tpu.memory_space<hbm>>) dst(%arg4 : memref<16384xi32, #tpu.memory_space<vmem>>)
    %scan3A = arith.constant 0 : i32
    %scan3A_18 = arith.constant 128 : i32
    %scan3A_19 = arith.addi %scan3A, %scan3A_18 : i32
    %scan3A_20 = arith.constant 1 : i32
    %scan3A_21:2 = scf.for %scan3A_49 = %scan3A to %scan3A_19 step %scan3A_20 iter_args(%scan3A_50 = %broadcast_in_dim3A_13, %scan3A_51 = %broadcast_in_dim3A_13) -> (vector<16xi32>, vector<16xi32>)  : i32 {
      %mul3A_52 = arith.constant 128 : i32
      %mul3A_53 = arith.muli %scan3A_49, %mul3A_52 : i32
      %add3A_54 = arith.constant 0 : i32
      %add3A_55 = arith.addi %mul3A_53, %add3A_54 : i32
      %get3A = arith.index_cast %add3A_55 : i32 to index
      %get3A_56 = tpu.vector_load %arg4[%get3A] {strides = array<i32>} : memref<16384xi32, #tpu.memory_space<vmem>>, vector<16xi32>,
      %get3A_57 = vector.shape_cast %get3A_56 : vector<16xi32> to vector<16xi32>
      %add3A_58 = arith.addi %scan3A_50, %get3A_57 : vector<16xi32>
      %mul3A_59 = arith.muli %get3A_57, %get3A_57 : vector<16xi32>
      %add3A_60 = arith.addi %scan3A_51, %mul3A_59 : vector<16xi32>
      %add3A_61 = arith.constant 16 : i32
      %add3A_62 = arith.addi %mul3A_53, %add3A_61 : i32
      %get3A_63 = arith.index_cast %add3A_62 : i32 to index
      %get3A_64 = tpu.vector_load %arg4[%get3A_63] {strides = array<i32>} : memref<16384xi32, #tpu.memory_space<vmem>>, vector<16xi32>,
      %get3A_65 = vector.shape_cast %get3A_64 : vector<16xi32> to vector<16xi32>
      %add3A_66 = arith.addi %add3A_58, %get3A_65 : vector<16xi32>
      %mul3A_67 = arith.muli %get3A_65, %get3A_65 : vector<16xi32>
      %add3A_68 = arith.addi %add3A_60, %mul3A_67 : vector<16xi32>
      %add3A_69 = arith.constant 32 : i32
      %add3A_70 = arith.addi %mul3A_53, %add3A_69 : i32
      %get3A_71 = arith.index_cast %add3A_70 : i32 to index
      %get3A_72 = tpu.vector_load %arg4[%get3A_71] {strides = array<i32>} : memref<16384xi32, #tpu.memory_space<vmem>>, vector<16xi32>,
      %get3A_73 = vector.shape_cast %get3A_72 : vector<16xi32> to vector<16xi32>
      %add3A_74 = arith.addi %add3A_66, %get3A_73 : vector<16xi32>
      %mul3A_75 = arith.muli %get3A_73, %get3A_73 : vector<16xi32>
      %add3A_76 = arith.addi %add3A_68, %mul3A_75 : vector<16xi32>
      %add3A_77 = arith.constant 48 : i32
      %add3A_78 = arith.addi %mul3A_53, %add3A_77 : i32
      %get3A_79 = arith.index_cast %add3A_78 : i32 to index
      %get3A_80 = tpu.vector_load %arg4[%get3A_79] {strides = array<i32>} : memref<16384xi32, #tpu.memory_space<vmem>>, vector<16xi32>,
      %get3A_81 = vector.shape_cast %get3A_80 : vector<16xi32> to vector<16xi32>
      %add3A_82 = arith.addi %add3A_74, %get3A_81 : vector<16xi32>
      %mul3A_83 = arith.muli %get3A_81, %get3A_81 : vector<16xi32>
      %add3A_84 = arith.addi %add3A_76, %mul3A_83 : vector<16xi32>
      %add3A_85 = arith.constant 64 : i32
      %add3A_86 = arith.addi %mul3A_53, %add3A_85 : i32
      %get3A_87 = arith.index_cast %add3A_86 : i32 to index
      %get3A_88 = tpu.vector_load %arg4[%get3A_87] {strides = array<i32>} : memref<16384xi32, #tpu.memory_space<vmem>>, vector<16xi32>,
      %get3A_89 = vector.shape_cast %get3A_88 : vector<16xi32> to vector<16xi32>
      %add3A_90 = arith.addi %add3A_82, %get3A_89 : vector<16xi32>
      %mul3A_91 = arith.muli %get3A_89, %get3A_89 : vector<16xi32>
      %add3A_92 = arith.addi %add3A_84, %mul3A_91 : vector<16xi32>
      %add3A_93 = arith.constant 80 : i32
      %add3A_94 = arith.addi %mul3A_53, %add3A_93 : i32
      %get3A_95 = arith.index_cast %add3A_94 : i32 to index
      %get3A_96 = tpu.vector_load %arg4[%get3A_95] {strides = array<i32>} : memref<16384xi32, #tpu.memory_space<vmem>>, vector<16xi32>,
      %get3A_97 = vector.shape_cast %get3A_96 : vector<16xi32> to vector<16xi32>
      %add3A_98 = arith.addi %add3A_90, %get3A_97 : vector<16xi32>
      %mul3A_99 = arith.muli %get3A_97, %get3A_97 : vector<16xi32>
      %add3A_100 = arith.addi %add3A_92, %mul3A_99 : vector<16xi32>
      %add3A_101 = arith.constant 96 : i32
      %add3A_102 = arith.addi %mul3A_53, %add3A_101 : i32
      %get3A_103 = arith.index_cast %add3A_102 : i32 to index
      %get3A_104 = tpu.vector_load %arg4[%get3A_103] {strides = array<i32>} : memref<16384xi32, #tpu.memory_space<vmem>>, vector<16xi32>,
      %get3A_105 = vector.shape_cast %get3A_104 : vector<16xi32> to vector<16xi32>
      %add3A_106 = arith.addi %add3A_98, %get3A_105 : vector<16xi32>
      %mul3A_107 = arith.muli %get3A_105, %get3A_105 : vector<16xi32>
      %add3A_108 = arith.addi %add3A_100, %mul3A_107 : vector<16xi32>
      %add3A_109 = arith.constant 112 : i32
      %add3A_110 = arith.addi %mul3A_53, %add3A_109 : i32
      %get3A_111 = arith.index_cast %add3A_110 : i32 to index
      %get3A_112 = tpu.vector_load %arg4[%get3A_111] {strides = array<i32>} : memref<16384xi32, #tpu.memory_space<vmem>>, vector<16xi32>,
      %get3A_113 = vector.shape_cast %get3A_112 : vector<16xi32> to vector<16xi32>
      %add3A_114 = arith.addi %add3A_106, %get3A_113 : vector<16xi32>
      %mul3A_115 = arith.muli %get3A_113, %get3A_113 : vector<16xi32>
      %add3A_116 = arith.addi %add3A_108, %mul3A_115 : vector<16xi32>
      scf.yield %add3A_114, %add3A_116 : vector<16xi32>, vector<16xi32>
    }
    %scan3A_22 = arith.constant 128 : i32
    %dma_wait3A_23 = arith.constant 1 : i32
    %dma_wait3A_24 = tpu.memref_slice %arg2[%dma_wait3A_23, %add3A_7] : memref<2x1048576xi32, #tpu.memory_space<hbm>> -> memref<1x16384xi32, #tpu.memory_space<hbm>>
    %dma_wait3A_25 = tpu.memref_squeeze %dma_wait3A_24 : memref<1x16384xi32, #tpu.memory_space<hbm>> -> memref<16384xi32, #tpu.memory_space<hbm>>
    %dma_wait3A_26 = tpu.memref_slice %arg2[%dma_wait3A_23, %add3A_7] : memref<2x1048576xi32, #tpu.memory_space<hbm>> -> memref<1x16384xi32, #tpu.memory_space<hbm>>
    %dma_wait3A_27 = tpu.memref_squeeze %dma_wait3A_26 : memref<1x16384xi32, #tpu.memory_space<hbm>> -> memref<16384xi32, #tpu.memory_space<hbm>>
    tpu.wait_dma2 semaphore(%arg8 : memref<!tpu.dma_semaphore, #tpu.memory_space<semaphore_mem>>) src(%dma_wait3A_27 : memref<16384xi32, #tpu.memory_space<hbm>>) dst(%arg5 : memref<16384xi32, #tpu.memory_space<vmem>>)
    %scan3A_28 = arith.constant 0 : i32
    %scan3A_29 = arith.constant 128 : i32
    %scan3A_30 = arith.addi %scan3A_28, %scan3A_29 : i32
    %scan3A_31 = arith.constant 1 : i32
    %scan3A_32:2 = scf.for %scan3A_49 = %scan3A_28 to %scan3A_30 step %scan3A_31 iter_args(%scan3A_50 = %broadcast_in_dim3A_13, %scan3A_51 = %broadcast_in_dim3A_13) -> (vector<16xi32>, vector<16xi32>)  : i32 {
      %mul3A_52 = arith.constant 128 : i32
      %mul3A_53 = arith.muli %scan3A_49, %mul3A_52 : i32
      %add3A_54 = arith.constant 0 : i32
      %add3A_55 = arith.addi %mul3A_53, %add3A_54 : i32
      %get3A = arith.index_cast %add3A_55 : i32 to index
      %get3A_56 = tpu.vector_load %arg5[%get3A] {strides = array<i32>} : memref<16384xi32, #tpu.memory_space<vmem>>, vector<16xi32>,
      %get3A_57 = vector.shape_cast %get3A_56 : vector<16xi32> to vector<16xi32>
      %add3A_58 = arith.addi %scan3A_50, %get3A_57 : vector<16xi32>
      %mul3A_59 = arith.muli %get3A_57, %get3A_57 : vector<16xi32>
      %add3A_60 = arith.addi %scan3A_51, %mul3A_59 : vector<16xi32>
      %add3A_61 = arith.constant 16 : i32
      %add3A_62 = arith.addi %mul3A_53, %add3A_61 : i32
      %get3A_63 = arith.index_cast %add3A_62 : i32 to index
      %get3A_64 = tpu.vector_load %arg5[%get3A_63] {strides = array<i32>} : memref<16384xi32, #tpu.memory_space<vmem>>, vector<16xi32>,
      %get3A_65 = vector.shape_cast %get3A_64 : vector<16xi32> to vector<16xi32>
      %add3A_66 = arith.addi %add3A_58, %get3A_65 : vector<16xi32>
      %mul3A_67 = arith.muli %get3A_65, %get3A_65 : vector<16xi32>
      %add3A_68 = arith.addi %add3A_60, %mul3A_67 : vector<16xi32>
      %add3A_69 = arith.constant 32 : i32
      %add3A_70 = arith.addi %mul3A_53, %add3A_69 : i32
      %get3A_71 = arith.index_cast %add3A_70 : i32 to index
      %get3A_72 = tpu.vector_load %arg5[%get3A_71] {strides = array<i32>} : memref<16384xi32, #tpu.memory_space<vmem>>, vector<16xi32>,
      %get3A_73 = vector.shape_cast %get3A_72 : vector<16xi32> to vector<16xi32>
      %add3A_74 = arith.addi %add3A_66, %get3A_73 : vector<16xi32>
      %mul3A_75 = arith.muli %get3A_73, %get3A_73 : vector<16xi32>
      %add3A_76 = arith.addi %add3A_68, %mul3A_75 : vector<16xi32>
      %add3A_77 = arith.constant 48 : i32
      %add3A_78 = arith.addi %mul3A_53, %add3A_77 : i32
      %get3A_79 = arith.index_cast %add3A_78 : i32 to index
      %get3A_80 = tpu.vector_load %arg5[%get3A_79] {strides = array<i32>} : memref<16384xi32, #tpu.memory_space<vmem>>, vector<16xi32>,
      %get3A_81 = vector.shape_cast %get3A_80 : vector<16xi32> to vector<16xi32>
      %add3A_82 = arith.addi %add3A_74, %get3A_81 : vector<16xi32>
      %mul3A_83 = arith.muli %get3A_81, %get3A_81 : vector<16xi32>
      %add3A_84 = arith.addi %add3A_76, %mul3A_83 : vector<16xi32>
      %add3A_85 = arith.constant 64 : i32
      %add3A_86 = arith.addi %mul3A_53, %add3A_85 : i32
      %get3A_87 = arith.index_cast %add3A_86 : i32 to index
      %get3A_88 = tpu.vector_load %arg5[%get3A_87] {strides = array<i32>} : memref<16384xi32, #tpu.memory_space<vmem>>, vector<16xi32>,
      %get3A_89 = vector.shape_cast %get3A_88 : vector<16xi32> to vector<16xi32>
      %add3A_90 = arith.addi %add3A_82, %get3A_89 : vector<16xi32>
      %mul3A_91 = arith.muli %get3A_89, %get3A_89 : vector<16xi32>
      %add3A_92 = arith.addi %add3A_84, %mul3A_91 : vector<16xi32>
      %add3A_93 = arith.constant 80 : i32
      %add3A_94 = arith.addi %mul3A_53, %add3A_93 : i32
      %get3A_95 = arith.index_cast %add3A_94 : i32 to index
      %get3A_96 = tpu.vector_load %arg5[%get3A_95] {strides = array<i32>} : memref<16384xi32, #tpu.memory_space<vmem>>, vector<16xi32>,
      %get3A_97 = vector.shape_cast %get3A_96 : vector<16xi32> to vector<16xi32>
      %add3A_98 = arith.addi %add3A_90, %get3A_97 : vector<16xi32>
      %mul3A_99 = arith.muli %get3A_97, %get3A_97 : vector<16xi32>
      %add3A_100 = arith.addi %add3A_92, %mul3A_99 : vector<16xi32>
      %add3A_101 = arith.constant 96 : i32
      %add3A_102 = arith.addi %mul3A_53, %add3A_101 : i32
      %get3A_103 = arith.index_cast %add3A_102 : i32 to index
      %get3A_104 = tpu.vector_load %arg5[%get3A_103] {strides = array<i32>} : memref<16384xi32, #tpu.memory_space<vmem>>, vector<16xi32>,
      %get3A_105 = vector.shape_cast %get3A_104 : vector<16xi32> to vector<16xi32>
      %add3A_106 = arith.addi %add3A_98, %get3A_105 : vector<16xi32>
      %mul3A_107 = arith.muli %get3A_105, %get3A_105 : vector<16xi32>
      %add3A_108 = arith.addi %add3A_100, %mul3A_107 : vector<16xi32>
      %add3A_109 = arith.constant 112 : i32
      %add3A_110 = arith.addi %mul3A_53, %add3A_109 : i32
      %get3A_111 = arith.index_cast %add3A_110 : i32 to index
      %get3A_112 = tpu.vector_load %arg5[%get3A_111] {strides = array<i32>} : memref<16384xi32, #tpu.memory_space<vmem>>, vector<16xi32>,
      %get3A_113 = vector.shape_cast %get3A_112 : vector<16xi32> to vector<16xi32>
      %add3A_114 = arith.addi %add3A_106, %get3A_113 : vector<16xi32>
      %mul3A_115 = arith.muli %get3A_113, %get3A_113 : vector<16xi32>
      %add3A_116 = arith.addi %add3A_108, %mul3A_115 : vector<16xi32>
      scf.yield %add3A_114, %add3A_116 : vector<16xi32>, vector<16xi32>
    }
    %scan3A_33 = arith.constant 128 : i32
    %swap3A = arith.constant 0 : index
    %swap3A_34 = tpu.vector_load %arg6[%swap3A] {strides = array<i32>} : memref<64xi32, #tpu.memory_space<vmem>>, vector<16xi32>,
    %swap3A_35 = vector.shape_cast %swap3A_34 : vector<16xi32> to vector<16xi32>
    %swap3A_36 = vector.shape_cast %scan3A_21#0 : vector<16xi32> to vector<16xi32>
    tpu.vector_store %arg6[%swap3A], %swap3A_36 {strides = array<i32>} : memref<64xi32, #tpu.memory_space<vmem>>, vector<16xi32>,
    %swap3A_37 = arith.constant 16 : index
    %swap3A_38 = tpu.vector_load %arg6[%swap3A_37] {strides = array<i32>} : memref<64xi32, #tpu.memory_space<vmem>>, vector<16xi32>,
    %swap3A_39 = vector.shape_cast %swap3A_38 : vector<16xi32> to vector<16xi32>
    %swap3A_40 = vector.shape_cast %scan3A_21#1 : vector<16xi32> to vector<16xi32>
    tpu.vector_store %arg6[%swap3A_37], %swap3A_40 {strides = array<i32>} : memref<64xi32, #tpu.memory_space<vmem>>, vector<16xi32>,
    %swap3A_41 = arith.constant 32 : index
    %swap3A_42 = tpu.vector_load %arg6[%swap3A_41] {strides = array<i32>} : memref<64xi32, #tpu.memory_space<vmem>>, vector<16xi32>,
    %swap3A_43 = vector.shape_cast %swap3A_42 : vector<16xi32> to vector<16xi32>
    %swap3A_44 = vector.shape_cast %scan3A_32#0 : vector<16xi32> to vector<16xi32>
    tpu.vector_store %arg6[%swap3A_41], %swap3A_44 {strides = array<i32>} : memref<64xi32, #tpu.memory_space<vmem>>, vector<16xi32>,
    %swap3A_45 = arith.constant 48 : index
    %swap3A_46 = tpu.vector_load %arg6[%swap3A_45] {strides = array<i32>} : memref<64xi32, #tpu.memory_space<vmem>>, vector<16xi32>,
    %swap3A_47 = vector.shape_cast %swap3A_46 : vector<16xi32> to vector<16xi32>
    %swap3A_48 = vector.shape_cast %scan3A_32#1 : vector<16xi32> to vector<16xi32>
    tpu.vector_store %arg6[%swap3A_45], %swap3A_48 {strides = array<i32>} : memref<64xi32, #tpu.memory_space<vmem>>, vector<16xi32>,
    "tpu.region"() ({
      %run_scoped3A = tpu.sem_alloc : memref<!tpu.dma_semaphore, #tpu.memory_space<semaphore_mem>>
      %dma_start3A_49 = arith.constant 0 : i32
      %dma_start3A_50 = tpu.memref_slice %arg3[%arg1, %dma_start3A_49] : memref<16x64xi32, #tpu.memory_space<hbm>> -> memref<1x64xi32, #tpu.memory_space<hbm>>
      %dma_start3A_51 = tpu.memref_squeeze %dma_start3A_50 : memref<1x64xi32, #tpu.memory_space<hbm>> -> memref<64xi32, #tpu.memory_space<hbm>>
      %dma_start3A_52 = arith.constant 0 : i32
      %dma_start3A_53 = tpu.memref_slice %arg3[%arg1, %dma_start3A_52] : memref<16x64xi32, #tpu.memory_space<hbm>> -> memref<1x64xi32, #tpu.memory_space<hbm>>
      %dma_start3A_54 = tpu.memref_squeeze %dma_start3A_53 : memref<1x64xi32, #tpu.memory_space<hbm>> -> memref<64xi32, #tpu.memory_space<hbm>>
      tpu.enqueue_dma source(%arg6 : memref<64xi32, #tpu.memory_space<vmem>>) target(%dma_start3A_54 : memref<64xi32, #tpu.memory_space<hbm>>) target_semaphore(%run_scoped3A : memref<!tpu.dma_semaphore, #tpu.memory_space<semaphore_mem>>)
      %dma_wait3A_55 = arith.constant 0 : i32
      %dma_wait3A_56 = tpu.memref_slice %arg3[%arg1, %dma_wait3A_55] : memref<16x64xi32, #tpu.memory_space<hbm>> -> memref<1x64xi32, #tpu.memory_space<hbm>>
      %dma_wait3A_57 = tpu.memref_squeeze %dma_wait3A_56 : memref<1x64xi32, #tpu.memory_space<hbm>> -> memref<64xi32, #tpu.memory_space<hbm>>
      %dma_wait3A_58 = arith.constant 0 : i32
      %dma_wait3A_59 = tpu.memref_slice %arg3[%arg1, %dma_wait3A_58] : memref<16x64xi32, #tpu.memory_space<hbm>> -> memref<1x64xi32, #tpu.memory_space<hbm>>
      %dma_wait3A_60 = tpu.memref_squeeze %dma_wait3A_59 : memref<1x64xi32, #tpu.memory_space<hbm>> -> memref<64xi32, #tpu.memory_space<hbm>>
      tpu.wait_dma2 semaphore(%run_scoped3A : memref<!tpu.dma_semaphore, #tpu.memory_space<semaphore_mem>>) src(%arg6 : memref<64xi32, #tpu.memory_space<vmem>>) dst(%dma_wait3A_60 : memref<64xi32, #tpu.memory_space<hbm>>)
      tpu.yield
    }) : () -> ()
    return
  }
}

module attributes {stable_mosaic.version = 14 : i64} {
  func.func @_tc_finish_body(%arg0: memref<2x3xf32, #tpu.memory_space<vmem>>, %arg1: memref<16x64xi32, #tpu.memory_space<vmem>>, %arg2: memref<4xi32, #tpu.memory_space<smem>>, %arg3: memref<1x1xf32, #tpu.memory_space<vmem>>) attributes {dimension_semantics = [], scalar_prefetch = 0 : i64, scratch_operands = 0 : i64, tpu.core_type = #tpu.core_type<tc>} {
    %get3A = arith.constant 0 : index
    %get3A_0 = arith.constant 0 : index
    %get3A_1 = vector.load %arg0[%get3A, %get3A_0] : memref<2x3xf32, #tpu.memory_space<vmem>>, vector<2x3xf32>
    %reduce_max3A = arith.constant dense<0xFF800000> : vector<2xf32>
    %reduce_max3A_2 = vector.multi_reduction <maximumf>, %get3A_1, %reduce_max3A [1] : vector<2x3xf32> to vector<2xf32>
    %broadcast_in_dim3A = vector.shape_cast %reduce_max3A_2 : vector<2xf32> to vector<2x1xf32>
    %sub3A = vector.broadcast %broadcast_in_dim3A : vector<2x1xf32> to vector<2x3xf32>
    %sub3A_3 = arith.subf %get3A_1, %sub3A : vector<2x3xf32>
    %exp3A = math.exp %sub3A_3 : vector<2x3xf32>
    %reduce_sum3A = arith.constant dense<0.000000e+00> : vector<2xf32>
    %reduce_sum3A_4 = vector.multi_reduction <add>, %exp3A, %reduce_sum3A [1] : vector<2x3xf32> to vector<2xf32>
    %broadcast_in_dim3A_5 = vector.shape_cast %reduce_sum3A_4 : vector<2xf32> to vector<2x1xf32>
    %log3A = math.log %broadcast_in_dim3A_5 : vector<2x1xf32>
    %add3A = arith.addf %log3A, %broadcast_in_dim3A : vector<2x1xf32>
    %sub3A_6 = vector.broadcast %add3A : vector<2x1xf32> to vector<2x3xf32>
    %sub3A_7 = arith.subf %sub3A_6, %get3A_1 : vector<2x3xf32>
    %get3A_8 = arith.constant 0 : index
    %get3A_9 = arith.constant 0 : index
    %get3A_10 = vector.load %arg1[%get3A_8, %get3A_9] : memref<16x64xi32, #tpu.memory_space<vmem>>, vector<16x64xi32>
    %convert_element_type3A = arith.sitofp %get3A_10 : vector<16x64xi32> to vector<16x64xf32>
    %iota3A = tpu.iota {dimensions = array<i32: 1>} : vector<16x64xi32>
    %shift_right_arithmetic3A = arith.constant 4 : i32
    %shift_right_arithmetic3A_11 = vector.broadcast %shift_right_arithmetic3A : i32 to vector<16x64xi32>
    %shift_right_arithmetic3A_12 = arith.shrsi %iota3A, %shift_right_arithmetic3A_11 : vector<16x64xi32>
    %eq3A = arith.constant 0 : i32
    %eq3A_13 = vector.broadcast %eq3A : i32 to vector<16x64xi32>
    %eq3A_14 = arith.cmpi eq, %shift_right_arithmetic3A_12, %eq3A_13 : vector<16x64xi32>
    %jit3A = arith.constant 0.000000e+00 : f32
    %broadcast_in_dim3A_15 = vector.broadcast %jit3A : f32 to vector<16x64xf32>
    %select_n3A = arith.select %eq3A_14, %convert_element_type3A, %broadcast_in_dim3A_15 : vector<16x64xi1>, vector<16x64xf32>
    %reduce_sum3A_16 = vector.shape_cast %select_n3A : vector<16x64xf32> to vector<1x16x64xf32>
    %reduce_sum3A_17 = arith.constant dense<0.000000e+00> : vector<1xf32>
    %reduce_sum3A_18 = vector.multi_reduction <add>, %reduce_sum3A_16, %reduce_sum3A_17 [1, 2] : vector<1x16x64xf32> to vector<1xf32>
    %reduce_sum3A_19 = vector.shape_cast %reduce_sum3A_18 : vector<1xf32> to vector<1x1x1xf32>
    %reduce_sum3A_20 = vector.extract %reduce_sum3A_19[0, 0, 0] : f32 from vector<1x1x1xf32>
    %get3A_21 = arith.constant 0 : index
    %get3A_22 = memref.load %arg2[%get3A_21] : memref<4xi32, #tpu.memory_space<smem>>
    %convert_element_type3A_23 = arith.sitofp %get3A_22 : i32 to f32
    %add3A_24 = arith.addf %reduce_sum3A_20, %convert_element_type3A_23 : f32
    %eq3A_25 = arith.constant 1 : i32
    %eq3A_26 = vector.broadcast %eq3A_25 : i32 to vector<16x64xi32>
    %eq3A_27 = arith.cmpi eq, %shift_right_arithmetic3A_12, %eq3A_26 : vector<16x64xi32>
    %jit3A_28 = arith.constant 0.000000e+00 : f32
    %broadcast_in_dim3A_29 = vector.broadcast %jit3A_28 : f32 to vector<16x64xf32>
    %select_n3A_30 = arith.select %eq3A_27, %convert_element_type3A, %broadcast_in_dim3A_29 : vector<16x64xi1>, vector<16x64xf32>
    %reduce_sum3A_31 = vector.shape_cast %select_n3A_30 : vector<16x64xf32> to vector<1x16x64xf32>
    %reduce_sum3A_32 = arith.constant dense<0.000000e+00> : vector<1xf32>
    %reduce_sum3A_33 = vector.multi_reduction <add>, %reduce_sum3A_31, %reduce_sum3A_32 [1, 2] : vector<1x16x64xf32> to vector<1xf32>
    %reduce_sum3A_34 = vector.shape_cast %reduce_sum3A_33 : vector<1xf32> to vector<1x1x1xf32>
    %reduce_sum3A_35 = vector.extract %reduce_sum3A_34[0, 0, 0] : f32 from vector<1x1x1xf32>
    %get3A_36 = arith.constant 2 : index
    %get3A_37 = memref.load %arg2[%get3A_36] : memref<4xi32, #tpu.memory_space<smem>>
    %convert_element_type3A_38 = arith.sitofp %get3A_37 : i32 to f32
    %add3A_39 = arith.addf %reduce_sum3A_35, %convert_element_type3A_38 : f32
    %eq3A_40 = arith.constant 2 : i32
    %eq3A_41 = vector.broadcast %eq3A_40 : i32 to vector<16x64xi32>
    %eq3A_42 = arith.cmpi eq, %shift_right_arithmetic3A_12, %eq3A_41 : vector<16x64xi32>
    %jit3A_43 = arith.constant 0.000000e+00 : f32
    %broadcast_in_dim3A_44 = vector.broadcast %jit3A_43 : f32 to vector<16x64xf32>
    %select_n3A_45 = arith.select %eq3A_42, %convert_element_type3A, %broadcast_in_dim3A_44 : vector<16x64xi1>, vector<16x64xf32>
    %reduce_sum3A_46 = vector.shape_cast %select_n3A_45 : vector<16x64xf32> to vector<1x16x64xf32>
    %reduce_sum3A_47 = arith.constant dense<0.000000e+00> : vector<1xf32>
    %reduce_sum3A_48 = vector.multi_reduction <add>, %reduce_sum3A_46, %reduce_sum3A_47 [1, 2] : vector<1x16x64xf32> to vector<1xf32>
    %reduce_sum3A_49 = vector.shape_cast %reduce_sum3A_48 : vector<1xf32> to vector<1x1x1xf32>
    %reduce_sum3A_50 = vector.extract %reduce_sum3A_49[0, 0, 0] : f32 from vector<1x1x1xf32>
    %get3A_51 = arith.constant 1 : index
    %get3A_52 = memref.load %arg2[%get3A_51] : memref<4xi32, #tpu.memory_space<smem>>
    %convert_element_type3A_53 = arith.sitofp %get3A_52 : i32 to f32
    %add3A_54 = arith.addf %reduce_sum3A_50, %convert_element_type3A_53 : f32
    %eq3A_55 = arith.constant 3 : i32
    %eq3A_56 = vector.broadcast %eq3A_55 : i32 to vector<16x64xi32>
    %eq3A_57 = arith.cmpi eq, %shift_right_arithmetic3A_12, %eq3A_56 : vector<16x64xi32>
    %jit3A_58 = arith.constant 0.000000e+00 : f32
    %broadcast_in_dim3A_59 = vector.broadcast %jit3A_58 : f32 to vector<16x64xf32>
    %select_n3A_60 = arith.select %eq3A_57, %convert_element_type3A, %broadcast_in_dim3A_59 : vector<16x64xi1>, vector<16x64xf32>
    %reduce_sum3A_61 = vector.shape_cast %select_n3A_60 : vector<16x64xf32> to vector<1x16x64xf32>
    %reduce_sum3A_62 = arith.constant dense<0.000000e+00> : vector<1xf32>
    %reduce_sum3A_63 = vector.multi_reduction <add>, %reduce_sum3A_61, %reduce_sum3A_62 [1, 2] : vector<1x16x64xf32> to vector<1xf32>
    %reduce_sum3A_64 = vector.shape_cast %reduce_sum3A_63 : vector<1xf32> to vector<1x1x1xf32>
    %reduce_sum3A_65 = vector.extract %reduce_sum3A_64[0, 0, 0] : f32 from vector<1x1x1xf32>
    %get3A_66 = arith.constant 3 : index
    %get3A_67 = memref.load %arg2[%get3A_66] : memref<4xi32, #tpu.memory_space<smem>>
    %convert_element_type3A_68 = arith.sitofp %get3A_67 : i32 to f32
    %add3A_69 = arith.addf %reduce_sum3A_65, %convert_element_type3A_68 : f32
    %iota3A_70 = tpu.iota {dimensions = array<i32: 0>} : vector<2x3xi32>
    %iota3A_71 = tpu.iota {dimensions = array<i32: 1>} : vector<2x3xi32>
    %eq3A_72 = arith.constant 0 : i32
    %eq3A_73 = vector.broadcast %eq3A_72 : i32 to vector<2x3xi32>
    %eq3A_74 = arith.cmpi eq, %iota3A_70, %eq3A_73 : vector<2x3xi32>
    %broadcast_in_dim3A_75 = vector.broadcast %add3A_24 : f32 to vector<2x3xf32>
    %broadcast_in_dim3A_76 = vector.broadcast %add3A_54 : f32 to vector<2x3xf32>
    %select_n3A_77 = arith.select %eq3A_74, %broadcast_in_dim3A_75, %broadcast_in_dim3A_76 : vector<2x3xi1>, vector<2x3xf32>
    %eq3A_78 = arith.constant 0 : i32
    %eq3A_79 = vector.broadcast %eq3A_78 : i32 to vector<2x3xi32>
    %eq3A_80 = arith.cmpi eq, %iota3A_70, %eq3A_79 : vector<2x3xi32>
    %broadcast_in_dim3A_81 = vector.broadcast %add3A_39 : f32 to vector<2x3xf32>
    %broadcast_in_dim3A_82 = vector.broadcast %add3A_69 : f32 to vector<2x3xf32>
    %select_n3A_83 = arith.select %eq3A_80, %broadcast_in_dim3A_81, %broadcast_in_dim3A_82 : vector<2x3xi1>, vector<2x3xf32>
    %eq3A_84 = arith.constant 0 : i32
    %eq3A_85 = vector.broadcast %eq3A_84 : i32 to vector<2x3xi32>
    %eq3A_86 = arith.cmpi eq, %iota3A_71, %eq3A_85 : vector<2x3xi32>
    %mul3A = arith.constant 1.500000e+00 : f32
    %mul3A_87 = vector.broadcast %mul3A : f32 to vector<2x3xf32>
    %mul3A_88 = arith.mulf %mul3A_87, %select_n3A_77 : vector<2x3xf32>
    %sub3A_89 = arith.constant 0x49800000 : f32
    %sub3A_90 = vector.broadcast %sub3A_89 : f32 to vector<2x3xf32>
    %sub3A_91 = arith.subf %sub3A_90, %mul3A_88 : vector<2x3xf32>
    %mul3A_92 = arith.constant 5.000000e-01 : f32
    %mul3A_93 = vector.broadcast %mul3A_92 : f32 to vector<2x3xf32>
    %mul3A_94 = arith.mulf %mul3A_93, %select_n3A_83 : vector<2x3xf32>
    %add3A_95 = arith.addf %sub3A_91, %mul3A_94 : vector<2x3xf32>
    %eq3A_96 = arith.constant 1 : i32
    %eq3A_97 = vector.broadcast %eq3A_96 : i32 to vector<2x3xi32>
    %eq3A_98 = arith.cmpi eq, %iota3A_71, %eq3A_97 : vector<2x3xi32>
    %mul3A_99 = arith.constant 2.000000e+00 : f32
    %mul3A_100 = vector.broadcast %mul3A_99 : f32 to vector<2x3xf32>
    %mul3A_101 = arith.mulf %mul3A_100, %select_n3A_77 : vector<2x3xf32>
    %sub3A_102 = arith.subf %mul3A_101, %select_n3A_83 : vector<2x3xf32>
    %sub3A_103 = arith.subf %select_n3A_83, %select_n3A_77 : vector<2x3xf32>
    %mul3A_104 = arith.constant 5.000000e-01 : f32
    %mul3A_105 = vector.broadcast %mul3A_104 : f32 to vector<2x3xf32>
    %mul3A_106 = arith.mulf %mul3A_105, %sub3A_103 : vector<2x3xf32>
    %select_n3A_107 = arith.select %eq3A_98, %sub3A_102, %mul3A_106 : vector<2x3xi1>, vector<2x3xf32>
    %select_n3A_108 = arith.select %eq3A_86, %add3A_95, %select_n3A_107 : vector<2x3xi1>, vector<2x3xf32>
    %mul3A_109 = arith.mulf %sub3A_7, %select_n3A_108 : vector<2x3xf32>
    %reduce_sum3A_110 = vector.shape_cast %mul3A_109 : vector<2x3xf32> to vector<1x2x3xf32>
    %reduce_sum3A_111 = arith.constant dense<0.000000e+00> : vector<1xf32>
    %reduce_sum3A_112 = vector.multi_reduction <add>, %reduce_sum3A_110, %reduce_sum3A_111 [1, 2] : vector<1x2x3xf32> to vector<1xf32>
    %reduce_sum3A_113 = vector.shape_cast %reduce_sum3A_112 : vector<1xf32> to vector<1x1x1xf32>
    %reduce_sum3A_114 = vector.extract %reduce_sum3A_113[0, 0, 0] : f32 from vector<1x1x1xf32>
    %broadcast_in_dim3A_115 = vector.broadcast %reduce_sum3A_114 : f32 to vector<1x1xf32>
    %swap3A = arith.constant 0 : index
    %swap3A_116 = arith.constant 0 : index
    %swap3A_117 = vector.load %arg3[%swap3A, %swap3A_116] : memref<1x1xf32, #tpu.memory_space<vmem>>, vector<1x1xf32>
    tpu.vector_store %arg3[%swap3A, %swap3A_116], %broadcast_in_dim3A_115 {strides = array<i32>} : memref<1x1xf32, #tpu.memory_space<vmem>>, vector<1x1xf32>,
    return
  }
}

module attributes {stable_mosaic.version = 14 : i64} {
  func.func @_tc_counts_body(%arg0: i32, %arg1: memref<2x262144xi32, #tpu.memory_space<vmem>>, %arg2: memref<4xi32, #tpu.memory_space<smem>>, %arg3: memref<2x65536xi32, #tpu.memory_space<vmem>>) attributes {dimension_semantics = [#tpu.dimension_semantics<arbitrary>], iteration_bounds = array<i64: 3>, scalar_prefetch = 0 : i64, scratch_operands = 1 : i64, tpu.core_type = #tpu.core_type<tc>, window_params = [{transform_indices = @transform_0, window_bounds = array<i64: 2, 262144>}, {transform_indices = @transform_1, window_bounds = array<i64: 4>}]} {
    %get3A = arith.constant 0 : index
    %get3A_0 = arith.constant 0 : index
    %get3A_1 = vector.load %arg1[%get3A, %get3A_0] : memref<2x262144xi32, #tpu.memory_space<vmem>>, vector<2x262144xi32>
    %slice3A = vector.extract_strided_slice %get3A_1 {offsets = [0, 0], sizes = [2, 65536], strides = [1, 1]} : vector<2x262144xi32> to vector<2x65536xi32>
    %mul3A = arith.muli %slice3A, %slice3A : vector<2x65536xi32>
    %shift_left3A = arith.constant 16 : i32
    %shift_left3A_2 = vector.broadcast %shift_left3A : i32 to vector<2x65536xi32>
    %shift_left3A_3 = arith.shli %mul3A, %shift_left3A_2 : vector<2x65536xi32>
    %add3A = arith.addi %slice3A, %shift_left3A_3 : vector<2x65536xi32>
    %slice3A_4 = vector.extract_strided_slice %get3A_1 {offsets = [0, 65536], sizes = [2, 65536], strides = [1, 1]} : vector<2x262144xi32> to vector<2x65536xi32>
    %mul3A_5 = arith.muli %slice3A_4, %slice3A_4 : vector<2x65536xi32>
    %shift_left3A_6 = arith.constant 16 : i32
    %shift_left3A_7 = vector.broadcast %shift_left3A_6 : i32 to vector<2x65536xi32>
    %shift_left3A_8 = arith.shli %mul3A_5, %shift_left3A_7 : vector<2x65536xi32>
    %add3A_9 = arith.addi %slice3A_4, %shift_left3A_8 : vector<2x65536xi32>
    %add3A_10 = arith.addi %add3A, %add3A_9 : vector<2x65536xi32>
    %slice3A_11 = vector.extract_strided_slice %get3A_1 {offsets = [0, 131072], sizes = [2, 65536], strides = [1, 1]} : vector<2x262144xi32> to vector<2x65536xi32>
    %mul3A_12 = arith.muli %slice3A_11, %slice3A_11 : vector<2x65536xi32>
    %shift_left3A_13 = arith.constant 16 : i32
    %shift_left3A_14 = vector.broadcast %shift_left3A_13 : i32 to vector<2x65536xi32>
    %shift_left3A_15 = arith.shli %mul3A_12, %shift_left3A_14 : vector<2x65536xi32>
    %add3A_16 = arith.addi %slice3A_11, %shift_left3A_15 : vector<2x65536xi32>
    %add3A_17 = arith.addi %add3A_10, %add3A_16 : vector<2x65536xi32>
    %slice3A_18 = vector.extract_strided_slice %get3A_1 {offsets = [0, 196608], sizes = [2, 65536], strides = [1, 1]} : vector<2x262144xi32> to vector<2x65536xi32>
    %mul3A_19 = arith.muli %slice3A_18, %slice3A_18 : vector<2x65536xi32>
    %shift_left3A_20 = arith.constant 16 : i32
    %shift_left3A_21 = vector.broadcast %shift_left3A_20 : i32 to vector<2x65536xi32>
    %shift_left3A_22 = arith.shli %mul3A_19, %shift_left3A_21 : vector<2x65536xi32>
    %add3A_23 = arith.addi %slice3A_18, %shift_left3A_22 : vector<2x65536xi32>
    %add3A_24 = arith.addi %add3A_17, %add3A_23 : vector<2x65536xi32>
    %eq3A = arith.constant 0 : i32
    %eq3A_25 = arith.cmpi eq, %arg0, %eq3A : i32
    %convert_element_type3A = arith.extui %eq3A_25 : i1 to i32
    %cond3A = arith.constant 0 : i32
    %cond3A_26 = arith.cmpi ne, %convert_element_type3A, %cond3A : i32
    scf.if %cond3A_26 {
      %swap3A = arith.constant 0 : index
      %swap3A_36 = arith.constant 0 : index
      %swap3A_37 = vector.load %arg3[%swap3A, %swap3A_36] : memref<2x65536xi32, #tpu.memory_space<vmem>>, vector<2x65536xi32>
      tpu.vector_store %arg3[%swap3A, %swap3A_36], %add3A_24 {strides = array<i32>} : memref<2x65536xi32, #tpu.memory_space<vmem>>, vector<2x65536xi32>,
    } else {
    }
    %gt3A = arith.constant 0 : i32
    %gt3A_27 = arith.cmpi sgt, %arg0, %gt3A : i32
    %convert_element_type3A_28 = arith.extui %gt3A_27 : i1 to i32
    %cond3A_29 = arith.constant 0 : i32
    %cond3A_30 = arith.cmpi ne, %convert_element_type3A_28, %cond3A_29 : i32
    scf.if %cond3A_30 {
      %get3A_36 = arith.constant 0 : index
      %get3A_37 = arith.constant 0 : index
      %get3A_38 = vector.load %arg3[%get3A_36, %get3A_37] : memref<2x65536xi32, #tpu.memory_space<vmem>>, vector<2x65536xi32>
      %add3A_39 = arith.addi %get3A_38, %add3A_24 : vector<2x65536xi32>
      %swap3A = arith.constant 0 : index
      %swap3A_40 = arith.constant 0 : index
      %swap3A_41 = vector.load %arg3[%swap3A, %swap3A_40] : memref<2x65536xi32, #tpu.memory_space<vmem>>, vector<2x65536xi32>
      tpu.vector_store %arg3[%swap3A, %swap3A_40], %add3A_39 {strides = array<i32>} : memref<2x65536xi32, #tpu.memory_space<vmem>>, vector<2x65536xi32>,
    } else {
    }
    %eq3A_31 = arith.constant 2 : i32
    %eq3A_32 = arith.cmpi eq, %arg0, %eq3A_31 : i32
    %convert_element_type3A_33 = arith.extui %eq3A_32 : i1 to i32
    %cond3A_34 = arith.constant 0 : i32
    %cond3A_35 = arith.cmpi ne, %convert_element_type3A_33, %cond3A_34 : i32
    scf.if %cond3A_35 {
      %get3A_36 = arith.constant 0 : index
      %get3A_37 = arith.constant 0 : index
      %get3A_38 = vector.load %arg3[%get3A_36, %get3A_37] : memref<2x65536xi32, #tpu.memory_space<vmem>>, vector<2x65536xi32>
      %and3A = arith.constant 65535 : i32
      %and3A_39 = vector.broadcast %and3A : i32 to vector<2x65536xi32>
      %and3A_40 = arith.andi %get3A_38, %and3A_39 : vector<2x65536xi32>
      %shift_right_arithmetic3A = arith.constant 16 : i32
      %shift_right_arithmetic3A_41 = vector.broadcast %shift_right_arithmetic3A : i32 to vector<2x65536xi32>
      %shift_right_arithmetic3A_42 = arith.shrsi %get3A_38, %shift_right_arithmetic3A_41 : vector<2x65536xi32>
      %iota3A = tpu.iota {dimensions = array<i32: 0>} : vector<2x65536xi32>
      %eq3A_43 = arith.constant 0 : i32
      %eq3A_44 = vector.broadcast %eq3A_43 : i32 to vector<2x65536xi32>
      %eq3A_45 = arith.cmpi eq, %iota3A, %eq3A_44 : vector<2x65536xi32>
      %jit3A = arith.constant 0 : i32
      %broadcast_in_dim3A = vector.broadcast %jit3A : i32 to vector<2x65536xi32>
      %select_n3A = arith.select %eq3A_45, %and3A_40, %broadcast_in_dim3A : vector<2x65536xi1>, vector<2x65536xi32>
      %reduce_sum3A = vector.shape_cast %select_n3A : vector<2x65536xi32> to vector<1x2x65536xi32>
      %reduce_sum3A_46 = arith.constant dense<0> : vector<1xi32>
      %reduce_sum3A_47 = vector.multi_reduction <add>, %reduce_sum3A, %reduce_sum3A_46 [1, 2] : vector<1x2x65536xi32> to vector<1xi32>
      %reduce_sum3A_48 = vector.shape_cast %reduce_sum3A_47 : vector<1xi32> to vector<1x1x1xi32>
      %reduce_sum3A_49 = vector.extract %reduce_sum3A_48[0, 0, 0] : i32 from vector<1x1x1xi32>
      %swap3A = arith.constant 0 : index
      %swap3A_50 = memref.load %arg2[%swap3A] : memref<4xi32, #tpu.memory_space<smem>>
      memref.store %reduce_sum3A_49, %arg2[%swap3A] : memref<4xi32, #tpu.memory_space<smem>>
      %eq3A_51 = arith.constant 1 : i32
      %eq3A_52 = vector.broadcast %eq3A_51 : i32 to vector<2x65536xi32>
      %eq3A_53 = arith.cmpi eq, %iota3A, %eq3A_52 : vector<2x65536xi32>
      %jit3A_54 = arith.constant 0 : i32
      %broadcast_in_dim3A_55 = vector.broadcast %jit3A_54 : i32 to vector<2x65536xi32>
      %select_n3A_56 = arith.select %eq3A_53, %and3A_40, %broadcast_in_dim3A_55 : vector<2x65536xi1>, vector<2x65536xi32>
      %reduce_sum3A_57 = vector.shape_cast %select_n3A_56 : vector<2x65536xi32> to vector<1x2x65536xi32>
      %reduce_sum3A_58 = arith.constant dense<0> : vector<1xi32>
      %reduce_sum3A_59 = vector.multi_reduction <add>, %reduce_sum3A_57, %reduce_sum3A_58 [1, 2] : vector<1x2x65536xi32> to vector<1xi32>
      %reduce_sum3A_60 = vector.shape_cast %reduce_sum3A_59 : vector<1xi32> to vector<1x1x1xi32>
      %reduce_sum3A_61 = vector.extract %reduce_sum3A_60[0, 0, 0] : i32 from vector<1x1x1xi32>
      %swap3A_62 = arith.constant 1 : index
      %swap3A_63 = memref.load %arg2[%swap3A_62] : memref<4xi32, #tpu.memory_space<smem>>
      memref.store %reduce_sum3A_61, %arg2[%swap3A_62] : memref<4xi32, #tpu.memory_space<smem>>
      %eq3A_64 = arith.constant 0 : i32
      %eq3A_65 = vector.broadcast %eq3A_64 : i32 to vector<2x65536xi32>
      %eq3A_66 = arith.cmpi eq, %iota3A, %eq3A_65 : vector<2x65536xi32>
      %jit3A_67 = arith.constant 0 : i32
      %broadcast_in_dim3A_68 = vector.broadcast %jit3A_67 : i32 to vector<2x65536xi32>
      %select_n3A_69 = arith.select %eq3A_66, %shift_right_arithmetic3A_42, %broadcast_in_dim3A_68 : vector<2x65536xi1>, vector<2x65536xi32>
      %reduce_sum3A_70 = vector.shape_cast %select_n3A_69 : vector<2x65536xi32> to vector<1x2x65536xi32>
      %reduce_sum3A_71 = arith.constant dense<0> : vector<1xi32>
      %reduce_sum3A_72 = vector.multi_reduction <add>, %reduce_sum3A_70, %reduce_sum3A_71 [1, 2] : vector<1x2x65536xi32> to vector<1xi32>
      %reduce_sum3A_73 = vector.shape_cast %reduce_sum3A_72 : vector<1xi32> to vector<1x1x1xi32>
      %reduce_sum3A_74 = vector.extract %reduce_sum3A_73[0, 0, 0] : i32 from vector<1x1x1xi32>
      %swap3A_75 = arith.constant 2 : index
      %swap3A_76 = memref.load %arg2[%swap3A_75] : memref<4xi32, #tpu.memory_space<smem>>
      memref.store %reduce_sum3A_74, %arg2[%swap3A_75] : memref<4xi32, #tpu.memory_space<smem>>
      %eq3A_77 = arith.constant 1 : i32
      %eq3A_78 = vector.broadcast %eq3A_77 : i32 to vector<2x65536xi32>
      %eq3A_79 = arith.cmpi eq, %iota3A, %eq3A_78 : vector<2x65536xi32>
      %jit3A_80 = arith.constant 0 : i32
      %broadcast_in_dim3A_81 = vector.broadcast %jit3A_80 : i32 to vector<2x65536xi32>
      %select_n3A_82 = arith.select %eq3A_79, %shift_right_arithmetic3A_42, %broadcast_in_dim3A_81 : vector<2x65536xi1>, vector<2x65536xi32>
      %reduce_sum3A_83 = vector.shape_cast %select_n3A_82 : vector<2x65536xi32> to vector<1x2x65536xi32>
      %reduce_sum3A_84 = arith.constant dense<0> : vector<1xi32>
      %reduce_sum3A_85 = vector.multi_reduction <add>, %reduce_sum3A_83, %reduce_sum3A_84 [1, 2] : vector<1x2x65536xi32> to vector<1xi32>
      %reduce_sum3A_86 = vector.shape_cast %reduce_sum3A_85 : vector<1xi32> to vector<1x1x1xi32>
      %reduce_sum3A_87 = vector.extract %reduce_sum3A_86[0, 0, 0] : i32 from vector<1x1x1xi32>
      %swap3A_88 = arith.constant 3 : index
      %swap3A_89 = memref.load %arg2[%swap3A_88] : memref<4xi32, #tpu.memory_space<smem>>
      memref.store %reduce_sum3A_87, %arg2[%swap3A_88] : memref<4xi32, #tpu.memory_space<smem>>
    } else {
    }
    return
  }
  func.func @transform_0(%arg0: i32) -> (i32, i32) {
    %add3A = arith.constant 1 : i32
    %add3A_0 = arith.addi %add3A, %arg0 : i32
    %c0_i32 = arith.constant 0 : i32
    %c0_i32_1 = arith.constant 0 : i32
    return %c0_i32, %add3A_0 : i32, i32
  }
  func.func @transform_1(%arg0: i32) -> i32 {
    %c0_i32 = arith.constant 0 : i32
    %c0_i32_0 = arith.constant 0 : i32
    return %c0_i32 : i32
  }
}

</mosaic_0001>

<sc_bundles>
// kernel: kernel.5.cloned.1.call-start
scs
__scs_entry_jumppad:
0x0: {  	(pc) =	sbr.rel $0x88, $3  }
0x1: {  	(tag) =	ssettag $0x0;
	lr =	simm.s32 $0x1  }
0x2: {  	[smem:$0x3F9F] =	sst lr;
	_ =	strace $0xD0000000  }
0x3: {  	_ = 	snop  }
0x4: {  	_ = 	snop  }
0x5: {  	_ = 	snop  }
0x6: {  	_ = 	snop  }
0x7: {  	_ = 	snop  }
__scs_overlays_trampoline_lowered:
0x8: {  	[smem:$0x3FAE] =	sst s0  }
0x9: {  	[smem:$0x3FAF] =	sst s1  }
0xa: {  	[smem:$0x3FB0] =	sst s2  }
0xb: {  	[smem:$0x3FB1] =	sst s3  }
0xc: {  	[smem:$0x3FB2] =	sst s4  }
0xd: {  	[smem:$0x3FB3] =	sst s5  }
0xe: {  	[smem:$0x3FB4] =	sst s6  }
0xf: {  	[smem:$0x3FB5] =	sst s7  }
0x10: {  	[smem:$0x3FB6] =	sst s8  }
0x11: {  	[smem:$0x3FB7] =	sst s9;
	s0 =	simm.s32 @!p0 $0x0  }
0x12: {  	s1 =	sld [smem:$0x3F9D];
	s0 =	simm.s32 @p0 $0x1  }
0x13: {  	[smem:$0x3FB8] =	sst s0;
	s0 =	simm.s32 @!p1 $0x0  }
0x14: {  	s2 =	sld [smem:$0x3F9C];
	s0 =	simm.s32 @p1 $0x1  }
0x15: {  	[smem:$0x3FB9] =	sst s0;
	s0 =	simm.s32 @!p2 $0x0  }
0x16: {  	s3 =	sld [smem:$0x3FDB];
	s0 =	simm.s32 @p2 $0x1  }
0x17: {  	s4 =	simm.s32 $0x1BF5;
	[smem:$0x3FBB] =	sst s0  }
0x18: {  	s0 =	sld [smem:$0x3F9E];
	_ =	swait.ge [sflag:s4], $0x0  }
0x19: {  	s7 =	sld [smem:$0x3F9F]  }
0x1a: {  	s8 =	sadd.s32 $0xFFFFE003, lr  }
0x1b: {  	s9 =	sadd.s32 $0xFFFFFEF7, lr;
	s5 =	simm.s32 $0xFFFFFFFF;
	p2 =	slt.u32 s8, $0xFFFFF086  }
0x1c: {  	p1 =	slt.u32 s9, $0xF7A;
	s5 =	simm.s32 @!p2 $0x0  }
0x1d: {  	s5 =	simm.s32 @p1 $0x1;
	p0 =	seq.s32 s7, s2  }
0x1e: {  	s7 =	smul.u32 @!p0 $0xF7A, s2;
	p2 =	seq.s32 @!p0 s5, $0x0  }
0x1f: {  	s9 =	smul.u32 $0xF7A, s1;
	s8 =	simm.s32 @!p0 $0x1BF5;
	p2 =	por !p2, p0  }
0x20: {  	[sflag:s8] =	ssyncset.s32 @!p0 $0xFFFFF086;
	s6 =	sadd.s32 @!p0 s3, s7;
	s7 =	simm.s32 @!p0 $0x108  }
0x21: {  	s3 =	sadd.s32 s3, s9;
	s6 =	sadd.s32 @!p0 $0x88, s6;
	s7 =	simm.s32 @p2 $0x1082  }
0x22: {  	[simem:s7], [sflag:s8] =	dma.local @!p0 [hbm:s6], $0xF7A  }
0x23: {  	s9 =	sor.u32 $0xD0000000, s2;
	s6 =	simm.s32 $0x108;
	_ =	swait.ge @!p0 [sflag:s8], $0x0  }
0x24: {  	s3 =	sadd.s32 $0x88, s3;
	s6 =	simm.s32 @!p1 $0x1082;
	[sflag:s4] =	ssyncset.s32 $0xFFFFF086  }
0x25: {  	[simem:s6], [sflag:s4] =	dma.local [hbm:s3], $0xF7A  }
0x26: {  	[smem:$0x3F9F] =	sst s1;
	(tag) =	ssettag s2;
	_ =	strace s9  }
0x27: {  	s1 =	sld [smem:$0x3FAF]  }
0x28: {  	s2 =	sld [smem:$0x3FB0]  }
0x29: {  	s4 =	sld [smem:$0x3FB2]  }
0x2a: {  	p0 =	seq.s32 s5, $0x0;
	s5 =	sld [smem:$0x3FB3]  }
0x2b: {  	s6 =	sld [smem:$0x3FB4]  }
0x2c: {  	s7 =	sld [smem:$0x3FB5]  }
0x2d: {  	s3 =	simm.s32 $0x108;
	s8 =	sld [smem:$0x3FB6]  }
0x2e: {  	s3 =	simm.s32 @!p0 $0x1082;
	s9 =	sld [smem:$0x3FB7]  }
0x2f: {  	lr =	sadd.s32 s0, s3;
	s0 =	sld [smem:$0x3FAE]  }
0x30: {  	s3 =	sld [smem:$0x3FB1]  }
0x31: {  	[smem:$0x3FBA] =	sst s10  }
0x32: {  	s10 =	sld [smem:$0x3FB8];
	_ =	sdelay $0x3  }
0x33: {  	p0 =	seq.s32 s10, $0x1;
	s10 =	sld [smem:$0x3FBA];
	_ =	sdelay $0x3  }
0x34: {  	[smem:$0x3FBA] =	sst s10  }
0x35: {  	s10 =	sld [smem:$0x3FB9];
	_ =	sdelay $0x3  }
0x36: {  	p1 =	seq.s32 s10, $0x1;
	s10 =	sld [smem:$0x3FBA];
	_ =	sdelay $0x3  }
0x37: {  	[smem:$0x3FBA] =	sst s10  }
0x38: {  	s10 =	sld [smem:$0x3FBB]  }
0x39: {  	_ = 	snop;
	(pc) =	sbr.ind lr, $3  }
0x3a: {  	_ = 	snop  }
0x3b: {  	_ = 	snop  }
0x3c: {  	p2 =	seq.s32 s10, $0x1;
	s10 =	sld [smem:$0x3FBA]  }
0x3d: {  	_ =	shalt  }
0x3e: {  	_ =	shalt  }
0x3f: {  	_ =	shalt  }
0x40: {  	_ =	shalt  }
0x41: {  	_ =	shalt  }
0x42: {  	_ =	shalt  }
0x43: {  	_ =	shalt  }
0x44: {  	_ =	shalt  }
0x45: {  	_ =	shalt  }
0x46: {  	_ =	shalt  }
0x47: {  	_ =	shalt  }
0x48: {  	_ =	shalt  }
0x49: {  	_ =	shalt  }
0x4a: {  	_ =	shalt  }
0x4b: {  	_ =	shalt  }
0x4c: {  	_ =	shalt  }
0x4d: {  	_ =	shalt  }
0x4e: {  	_ =	shalt  }
0x4f: {  	_ =	shalt  }
0x50: {  	_ =	shalt  }
0x51: {  	_ =	shalt  }
0x52: {  	_ =	shalt  }
0x53: {  	_ =	shalt  }
0x54: {  	_ =	shalt  }
0x55: {  	_ =	shalt  }
0x56: {  	_ =	shalt  }
0x57: {  	_ =	shalt  }
0x58: {  	_ =	shalt  }
0x59: {  	_ =	shalt  }
0x5a: {  	_ =	shalt  }
0x5b: {  	_ =	shalt  }
0x5c: {  	_ =	shalt  }
0x5d: {  	_ =	shalt  }
0x5e: {  	_ =	shalt  }
0x5f: {  	_ =	shalt  }
0x60: {  	_ =	shalt  }
0x61: {  	_ =	shalt  }
0x62: {  	_ =	shalt  }
0x63: {  	_ =	shalt  }
0x64: {  	_ =	shalt  }
0x65: {  	_ =	shalt  }
0x66: {  	_ =	shalt  }
0x67: {  	_ =	shalt  }
0x68: {  	_ =	shalt  }
0x69: {  	_ =	shalt  }
0x6a: {  	_ =	shalt  }
0x6b: {  	_ =	shalt  }
0x6c: {  	_ =	shalt  }
0x6d: {  	_ =	shalt  }
0x6e: {  	_ =	shalt  }
0x6f: {  	_ =	shalt  }
0x70: {  	_ =	shalt  }
0x71: {  	_ =	shalt  }
0x72: {  	_ =	shalt  }
0x73: {  	_ =	shalt  }
0x74: {  	_ =	shalt  }
0x75: {  	_ =	shalt  }
0x76: {  	_ =	shalt  }
0x77: {  	_ =	shalt  }
0x78: {  	_ =	shalt  }
0x79: {  	_ =	shalt  }
0x7a: {  	_ =	shalt  }
0x7b: {  	_ =	shalt  }
0x7c: {  	_ =	shalt  }
0x7d: {  	_ =	shalt  }
0x7e: {  	_ =	shalt  }
0x7f: {  	_ =	shalt  }
0x80: {  	_ =	shalt  }
0x81: {  	_ =	shalt  }
0x82: {  	_ =	shalt  }
0x83: {  	_ =	shalt  }
0x84: {  	_ =	shalt  }
0x85: {  	_ =	shalt  }
0x86: {  	_ =	shalt  }
0x87: {  	_ =	shalt  }
.Lfunc_end0:
.L_simem_size_0:
called_computation_lowered:
.L_overlay_start_0:
0x88: {  	s0 =	sld [smem:$0x3FD9]  }
0x89: {  	s1 =	sld [smem:$0x3FFE];
	_ =	sdelay $0x3  }
0x8a: {  	s0 =	sadd.s32 s1, s0  }
0x8b: {  	[smem:$0x3FC6] =	sst s0  }
0x8c: {  	_ = 	snop  }
0x8d: {  	s0 =	sld [smem:$0x3FC9];
	(tm) =	ssettm $0x1  }
0x8e: {  	s16 =	sld [smem:$0x3FFB];
	_ =	sdelay $0x3  }
0x8f: {  	_ =	strace s16  }
0x90: {  	s1 =	sld [smem:$0x3FFC];
	_ =	sdelay $0x3  }
0x91: {  	_ =	strace s1  }
0x92: {  	s1 =	sld [smem:$0x3FFD];
	_ =	sdelay $0x3  }
0x93: {  	_ =	strace s1  }
0x94: {  	_ =	strace $0x8FFFFFFF  }
0x95: {  	s17 =	sld [smem:$0x3FDB];
	_ =	sdelay $0x1  }
0x96: {  	s2 =	simm.s32 $_scs_section_size  }
0x97: {  	s3 =	simm.s32 $_size__tile_overlayer_lowered;
	s4 =	simm.s32 $_tile_overlayer_lowered  }
0x98: {  	s20 =	simm.s32 $0x1BFF;
	s19 =	sshll.u32 s4, $0x1;
	s1 =	sadd.s32 s2, s17  }
0x99: {  	s5 =	simm.s32 $0x0;
	s18 =	sshll.u32 s3, $0x1;
	s3 =	sadd.s32 s19, s1  }
0x9a: {  	[timem:s5], [sflag:s20] =	dma.local [hbm:s3], s18  }
0x9b: {  	_ =	swait.ge [sflag:s20], s18  }
0x9c: {  	s2 =	ssub.s32 $0x0, s18;
	[sflag:s20] =	ssyncset.done $0x0  }
0x9d: {  	[sflag:s20] =	ssyncadd.s32 s2;
	_ =	sdelay $0x1  }
0x9e: {  	s21 =	simm.s32 $0x1B8B  }
0x9f: {  	_ =	swait.ge [sflag:s21], $0x1  }
0xa0: {  	[sflag:s21] =	ssyncset.done $0x0  }
0xa1: {  	s23 =	simm.s32 $0x1B8E;
	s22 =	sld [smem:$0x3FFE];
	[sflag:s21] =	ssyncadd.s32 $0xFFFFFFFF  }
0xa2: {  	s24 =	simm.s32 $execute0_lowered;
	[smem:$0x3FD2] =	sst s23  }
0xa3: {  	s3 =	sshll.u32 s24, $0x1;
	_ =	strace $0x80000046;
	[dreg:$0x1] =	wrdreg $0xFFFFFFFF  }
0xa4: {  	s25 =	simm.s32 $_size_execute0_lowered;
	s1 =	sadd.s32 s1, s3;
	[dreg:$0x0] =	wrdreg $0x0  }
0xa5: {  	s3 =	sshll.u32 s25, $0x1;
	[dreg:$0x2] =	wrdreg s1  }
0xa6: {  	[dreg:$0x3] =	wrdreg s3  }
0xa7: {  	[dreg:$0x4] =	wrdreg $0xC0  }
0xa8: {  	_ =	task [dreg:s5], $0x5FFFF  }
0xa9: {  	[dreg:$0x1] =	wrdreg $0xFFFFFFFF  }
0xaa: {  	[dreg:$0x0] =	wrdreg $0x60  }
0xab: {  	[dreg:$0x2] =	wrdreg s0  }
0xac: {  	[dreg:$0x3] =	wrdreg s22  }
0xad: {  	[dreg:$0x4] =	wrdreg $0x9  }
0xae: {  	_ =	task.clear_ibuf [dreg:s5], $0x5FFFF;
	_ =	strace $0x90000046  }
0xaf: {  	s26 =	simm.s32 $0x9;
	_ =	strace $0x80000048  }
0xb0: {  	_ =	swait.ge [sflag:s26], $0x1  }
0xb1: {  	[sflag:s26] =	ssyncadd.s32 $0xFFFFFFFF  }
0xb2: {  	_ =	strace $0x90000048  }
0xb3: {  	_ =	sfence  }
0xb4: {  	s28 =	sld [smem:$0x0];
	_ =	sdelay $0x1  }
0xb5: {  	s29 =	srdreg.scid  }
0xb6: {  	s30 =	sshll.u32 s29, $0xD;
	s31 =	sshrl.u32 s29, $0x2  }
0xb7: {  	s2 =	sand.u32 $0x4000, s30;
	s1 =	sand.u32 $0x1, s29;
	s0 =	sadd.s32 s31, s28  }
0xb8: {  	s1 =	sor.u32 s2, s1;
	s0 =	sshll.u32 s0, $0x11  }
0xb9: {  	s0 =	sor.u32 s0, s1  }
0xba: {  	s0 =	sadd.s32 $0x8F2B, s0  }
0xbb: {  	[sflag:s0] =	ssyncadd.remote.s32 $0x1  }
0xbc: {  	_ =	sfence.sel $0xFFFF  }
0xbd: {  	[dreg:$0x0] =	wrdreg $0xFFFFFFFF;
	(pc) =	sbr.abs _section_cstart, $3  }
0xbe: {  	[dreg:$0x1] =	wrdreg $0xFFFFFFFF  }
0xbf: {  	_ =	task.clear_ibuf [dreg:s5], $0x2FFFF;
	_ =	strace $0x9FFFFFFF  }
0xc0: {  	(tm) =	ssettm $0x7FFFFFFF  }
0xc1: {  	_ =	shalt  }
tec
execute0_lowered:
.L_overlay_start_1:
0x0: {  	(tag) =	ssettag $0x1  }
0x1: {  	s2 =	rddreg [dreg:$0x0]  }
0x2: {  	s3 =	rddreg [dreg:$0x1]  }
0x3: {  	s0 =	rddreg [dreg:$0x2];
	s4 =	simm.s32 $0x0;
	s1 =	stileid.u32  }
0x4: {  	s28 =	simm.s32 $0x80;
	[smem:$0x7FF] =	sst s4;
	s5 =	sshll.u32 s1, $0xC  }
0x5: {  	s6 =	simm.s32 $0x100;
	_ =	strace $0x80000047;
	s2 =	sadd.s32 s2, s5  }
0x6: {  	[tilespmem:s4], [sflag:$0x1] =	stream.strided.gather [hbm4b:s2+s28], $0x4000, s6, s28, $0x38;
	[tilespmem:$0x8080] =	vst v63  }
0x7: {  	s29 =	simm.s32 $0x4000;
	s30 =	simm.s32 $0x1;
	s2 =	sadd.s32 $0x10, s2  }
0x8: {  	[tilespmem:s29], [sflag:$0x2] =	stream.strided.gather [hbm4b:s2+s28], $0x4000, s6, s28, $0x38;
	[tilespmem:$0x8080] =	vst v63  }
0x9: {  	_ =	swait.ge [sflag:s30], $0x4000  }
0xa: {  	[sflag:s30] =	ssyncset.done $0x0  }
0xb: {  	s31 =	simm.s32 $0x0;
	[sflag:s30] =	ssyncadd.s32 $0xFFFFC000  }
0xc: {  	v3 =	vld [tilespmem:s31+$0x0]  }
0xd: {  	v6 =	vld [tilespmem:s31+$0x10]  }
0xe: {  	v5 =	vld [tilespmem:s31+$0x20]  }
0xf: {  	v4 =	vld [tilespmem:s31+$0x30]  }
0x10: {  	v2 =	vld [tilespmem:s31+$0x40]  }
0x11: {  	v1 =	vld [tilespmem:s31+$0x50];
	v8 =	vmul.u32 v3, v3  }
0x12: {  	v9 =	vimm.s32 $0x0;
	v0 =	vld [tilespmem:s31+$0x60];
	v7 =	vmul.u32 v6, v6  }
0x13: {  	s4 =	simm.s32 $0x400;
	s2 =	sadd.s32 $0xA00, s3;
	s3 =	simm.s32 $0x80;
	v10 =	vadd.s32 v9, v3;
	v3 =	vld [tilespmem:s31+$0x70];
	v9 =	vadd.s32 v9, v8;
	v8 =	vmul.u32 v5, v5  }
.LBB2_1:
0x14: {  	p0 =	sne.s32 s4, $0xFE00;
	v11 =	vld [tilespmem:s3+$0x0];
	v10 =	vadd.s32 v6, v10;
	v7 =	vadd.s32 v7, v9;
	v9 =	vmul.u32 v4, v4  }
0x15: {  	v6 =	vld [tilespmem:s3+$0x10];
	v10 =	vadd.s32 v5, v10;
	v7 =	vadd.s32 v8, v7;
	v8 =	vmul.u32 v2, v2  }
0x16: {  	v5 =	vld [tilespmem:s3+$0x20];
	v10 =	vadd.s32 v4, v10;
	v7 =	vadd.s32 v9, v7;
	v9 =	vmul.u32 v1, v1  }
.Ltmp0:
0x17: {  	v4 =	vld [tilespmem:s3+$0x30];
	v10 =	vadd.s32 v2, v10;
	v7 =	vadd.s32 v8, v7;
	v8 =	vmul.u32 v0, v0;
	(pc) =	sbr.rel @p0 .LBB2_1-.Ltmp0, $4  }
0x18: {  	v2 =	vld [tilespmem:s3+$0x40];
	v10 =	vadd.s32 v1, v10;
	v7 =	vadd.s32 v9, v7;
	v9 =	vmul.u32 v3, v3  }
0x19: {  	v12 =	vmul.u32 v11, v11;
	v1 =	vld [tilespmem:s3+$0x50];
	v10 =	vadd.s32 v0, v10;
	v8 =	vadd.s32 v8, v7  }
0x1a: {  	v7 =	vmul.u32 v6, v6;
	v0 =	vld [tilespmem:s3+$0x60];
	v3 =	vadd.s32 v3, v10;
	v8 =	vadd.s32 v9, v8  }
0x1b: {  	v10 =	vadd.s32 v3, v11;
	v9 =	vadd.s32 v8, v12;
	v8 =	vmul.u32 v5, v5;
	v3 =	vld [tilespmem:s3+$0x70];
	s3 =	sshra.s32 s4, $0x2;
	s4 =	sadd.s32 $0x200, s4  }
0x1c: {  	v11 =	vld [tilespmem:s3+$0x0]  }
0x1d: {  	v12 =	vld [tilespmem:s3+$0x10];
	v6 =	vadd.s32 v6, v10  }
0x1e: {  	v10 =	vld [tilespmem:s3+$0x20];
	v7 =	vadd.s32 v7, v9;
	v9 =	vmul.u32 v4, v4;
	v5 =	vadd.s32 v5, v6  }
0x1f: {  	v13 =	vld [tilespmem:s3+$0x50];
	v7 =	vadd.s32 v8, v7;
	v8 =	vmul.u32 v2, v2;
	v4 =	vadd.s32 v4, v5  }
0x20: {  	v6 =	vld [tilespmem:s3+$0x30];
	v7 =	vadd.s32 v9, v7;
	v9 =	vmul.u32 v1, v1;
	v2 =	vadd.s32 v2, v4  }
0x21: {  	v5 =	vld [tilespmem:s3+$0x40];
	v4 =	vadd.s32 v8, v7;
	v7 =	vmul.u32 v0, v0;
	v1 =	vadd.s32 v1, v2  }
0x22: {  	s31 =	simm.s32 $0x2;
	v8 =	vld [tilespmem:s3+$0x60];
	v2 =	vadd.s32 v9, v4;
	v4 =	vmul.u32 v3, v3;
	v0 =	vadd.s32 v0, v1  }
0x23: {  	v1 =	vld [tilespmem:s3+$0x70];
	v2 =	vadd.s32 v7, v2;
	v7 =	vmul.u32 v11, v11;
	_ =	swait.ge [sflag:s31], $0x4000;
	v0 =	vadd.s32 v3, v0  }
0x24: {  	v3 =	vmul.u32 v12, v12;
	v2 =	vadd.s32 v4, v2;
	[sflag:s31] =	ssyncset.done $0x0;
	v0 =	vadd.s32 v0, v11  }
0x25: {  	s5 =	simm.s32 $0x0;
	v4 =	vmul.u32 v10, v10;
	v2 =	vadd.s32 v2, v7;
	[sflag:s31] =	ssyncadd.s32 $0xFFFFC000;
	v0 =	vadd.s32 v12, v0  }
0x26: {  	v2 =	vadd.s32 v3, v2;
	v3 =	vmul.u32 v6, v6;
	v0 =	vadd.s32 v10, v0;
	v10 =	vld [tilespmem:s5+$0x4000]  }
0x27: {  	v7 =	vmul.u32 v5, v5;
	v11 =	vimm.s32 $0x0;
	v4 =	vadd.s32 v4, v2;
	v2 =	vld [tilespmem:s5+$0x4010]  }
0x28: {  	v0 =	vadd.s32 v6, v0;
	v3 =	vadd.s32 v3, v4;
	v6 =	vmul.u32 v13, v13;
	v4 =	vld [tilespmem:s5+$0x4020]  }
0x29: {  	v0 =	vadd.s32 v5, v0;
	v5 =	vadd.s32 v7, v3;
	v7 =	vmul.u32 v8, v8;
	v3 =	vld [tilespmem:s5+$0x4030]  }
0x2a: {  	v9 =	vmul.u32 v1, v1;
	v0 =	vadd.s32 v13, v0;
	v6 =	vadd.s32 v6, v5;
	v5 =	vld [tilespmem:s5+$0x4040]  }
0x2b: {  	v0 =	vadd.s32 v8, v0;
	v6 =	vadd.s32 v7, v6;
	v7 =	vld [tilespmem:s5+$0x4050];
	v8 =	vmul.u32 v10, v10  }
0x2c: {  	v0 =	vadd.s32 v1, v0;
	v1 =	vadd.s32 v9, v6;
	v9 =	vmul.u32 v2, v2;
	v6 =	vld [tilespmem:s5+$0x4060]  }
0x2d: {  	s4 =	simm.s32 $0x400;
	s3 =	simm.s32 $0x80;
	v12 =	vadd.s32 v11, v10;
	v10 =	vmul.u32 v4, v4;
	v11 =	vadd.s32 v11, v8;
	v8 =	vld [tilespmem:s5+$0x4070]  }
.LBB2_3:
0x2e: {  	p0 =	sne.s32 s4, $0xFE00;
	v13 =	vld [tilespmem:s3+$0x4000];
	v12 =	vadd.s32 v2, v12;
	v9 =	vadd.s32 v9, v11;
	v11 =	vmul.u32 v3, v3  }
0x2f: {  	v2 =	vld [tilespmem:s3+$0x4010];
	v12 =	vadd.s32 v4, v12;
	v9 =	vadd.s32 v10, v9;
	v10 =	vmul.u32 v5, v5  }
0x30: {  	v4 =	vld [tilespmem:s3+$0x4020];
	v12 =	vadd.s32 v3, v12;
	v9 =	vadd.s32 v11, v9;
	v11 =	vmul.u32 v7, v7  }
.Ltmp1:
0x31: {  	v3 =	vld [tilespmem:s3+$0x4030];
	v12 =	vadd.s32 v5, v12;
	v9 =	vadd.s32 v10, v9;
	v10 =	vmul.u32 v6, v6;
	(pc) =	sbr.rel @p0 .LBB2_3-.Ltmp1, $4  }
0x32: {  	v5 =	vld [tilespmem:s3+$0x4040];
	v12 =	vadd.s32 v7, v12;
	v9 =	vadd.s32 v11, v9;
	v11 =	vmul.u32 v8, v8  }
0x33: {  	v14 =	vmul.u32 v13, v13;
	v7 =	vld [tilespmem:s3+$0x4050];
	v12 =	vadd.s32 v6, v12;
	v10 =	vadd.s32 v10, v9  }
0x34: {  	v9 =	vmul.u32 v2, v2;
	v6 =	vld [tilespmem:s3+$0x4060];
	v8 =	vadd.s32 v8, v12;
	v10 =	vadd.s32 v11, v10  }
0x35: {  	v12 =	vadd.s32 v8, v13;
	v11 =	vadd.s32 v10, v14;
	v10 =	vmul.u32 v4, v4;
	v8 =	vld [tilespmem:s3+$0x4070];
	s3 =	sshra.s32 s4, $0x2;
	s4 =	sadd.s32 $0x200, s4  }
0x36: {  	v2 =	vadd.s32 v2, v12  }
0x37: {  	v41 =	vld [tilespmem:s3+$0x4000];
	v9 =	vadd.s32 v9, v11;
	v42 =	vmul.u32 v3, v3;
	v2 =	vadd.s32 v4, v2  }
0x38: {  	v43 =	vld [tilespmem:s3+$0x4010];
	v9 =	vadd.s32 v10, v9;
	v44 =	vmul.u32 v5, v5;
	v2 =	vadd.s32 v3, v2  }
0x39: {  	v45 =	vld [tilespmem:s3+$0x4020];
	v9 =	vadd.s32 v42, v9;
	v46 =	vmul.u32 v7, v7;
	v2 =	vadd.s32 v5, v2  }
0x3a: {  	v47 =	vld [tilespmem:s3+$0x4030];
	v9 =	vadd.s32 v44, v9;
	v48 =	vmul.u32 v6, v6;
	v2 =	vadd.s32 v7, v2  }
0x3b: {  	v49 =	vld [tilespmem:s3+$0x4040];
	v9 =	vadd.s32 v46, v9;
	v50 =	vmul.u32 v8, v8;
	v2 =	vadd.s32 v6, v2  }
0x3c: {  	v13 =	vld [tilespmem:s3+$0x4050];
	v51 =	vmul.u32 v41, v41;
	v9 =	vadd.s32 v48, v9;
	v2 =	vadd.s32 v8, v2  }
0x3d: {  	v53 =	vld [tilespmem:s3+$0x4060];
	v52 =	vmul.u32 v43, v43;
	v9 =	vadd.s32 v50, v9;
	v2 =	vadd.s32 v2, v41  }
0x3e: {  	v55 =	vld [tilespmem:s3+$0x4070];
	v54 =	vmul.u32 v45, v45;
	v6 =	vadd.s32 v9, v51;
	v2 =	vadd.s32 v43, v2  }
0x3f: {  	v57 =	vmul.u32 v47, v47;
	v56 =	vadd.s32 v52, v6;
	v2 =	vadd.s32 v45, v2  }
0x40: {  	v59 =	vmul.u32 v49, v49;
	v58 =	vadd.s32 v54, v56;
	v2 =	vadd.s32 v47, v2  }
0x41: {  	v60 =	vmul.u32 v13, v13;
	v3 =	vadd.s32 v57, v58;
	v2 =	vadd.s32 v49, v2  }
0x42: {  	v61 =	vmul.u32 v53, v53;
	v3 =	vadd.s32 v59, v3;
	v2 =	vadd.s32 v13, v2  }
0x43: {  	[tilespmem:$0x8000] =	vst v0;
	v62 =	vmul.u32 v55, v55;
	v3 =	vadd.s32 v60, v3;
	v2 =	vadd.s32 v53, v2  }
0x44: {  	[tilespmem:$0x8010] =	vst v1;
	v63 =	vadd.s32 v61, v3;
	v2 =	vadd.s32 v55, v2  }
0x45: {  	s29 =	sshll.u32 s1, $0x4;
	s30 =	simm.s32 $0x0;
	v0 =	vadd.s32 v62, v63;
	[tilespmem:$0x8020] =	vst v2  }
0x46: {  	s4 =	simm.s32 $0x8000;
	s31 =	simm.s32 $0x3;
	s2 =	sadd.s32 s2, s29;
	[tilespmem:$0x8030] =	vst v0  }
0x47: {  	[hbm4b:s2+s30] =	stream.linear.scatter [tilespmem:s4], [sflag:$0x3], $0x80, $0x38;
	[tilespmem:$0x8080] =	vst v63  }
0x48: {  	_ =	swait.ge [sflag:s31], $0x80  }
0x49: {  	[sflag:s31] =	ssyncset.done $0x0  }
0x4a: {  	[sflag:s31] =	ssyncadd.s32 $0xFFFFFF80  }
0x4b: {  	_ =	sfence.sel $0x180000  }
0x4c: {  	[bflag:$0x0] =	sbarrier.arrive $0xFFFF  }
0x4d: {  	p0 =	sne.s32 s1, $0x0;
	_ =	strace $0x90000047  }
0x4e: {  	s0 =	sadd.s32 @!p0 $0x100000, s0;
	[bflag:$0x2] =	sbarrier.arrive $0xFFFF  }
0x4f: {  	[sflag:s0] =	ssyncadd.tile.s32 @!p0 $0x1;
	_ =	shalt  }
.Lfunc_end2:
_tile_overlayer_lowered:
.L_overlay_start_2:
0x50: {  	(tag) =	ssettag $0x2  }
0x51: {  	s0 =	rddreg [dreg:$0x0];
	s2 =	stileid.u32  }
0x52: {  	s1 =	rddreg [dreg:$0x1];
	p0 =	sne.s32 s2, $0x0  }
0x53: {  	s3 =	rddreg [dreg:$0x2];
	[bflag:$0x3] =	sbarrier.arrive $0xFFFF;
	s2 =	simm.s32 @!p0 $0x1C03  }
0x54: {  	[timem:s3], [sflag:s2] =	dma.local @!p0 [hbm:s0], s1  }
0x55: {  	s0 =	simm.s32 @!p0 $0x3  }
0x56: {  	_ =	swait.ge @!p0 [sflag:s0], s1  }
0x57: {  	s1 =	ssub.s32 @!p0 $0x0, s1;
	[sflag:s0] =	ssyncset.done @!p0 $0x0  }
0x58: {  	[sflag:s0] =	ssyncadd.s32 @!p0 s1  }
0x59: {  	[bflag:$0x3] =	sbarrier.arrive $0xFFFF  }
0x5a: {  	_ =	shalt  }

</sc_bundles>
